<compile_context>
chip_gen: v7x
topology: tpu7x:2x2x1
jax: 0.10.2.dev20260603
libtpu: 0.0.44.dev20260713+nightly
codegen_flags: <defaults>
</compile_context>

<pallas_src>
import functools

import jax
import jax.numpy as jnp
from jax import lax
from jax.experimental import pallas as pl
from jax.experimental.pallas import tpu as pltpu
from jax.experimental.pallas import tpu_sc as plsc

_N_NODES = 10000
_N_EDGES = 320000
_D = 128
_E_DIM = 16
_G = 64

_NC = 2
_NS = 16
_NW = _NC * _NS
_EPW = _N_EDGES // _NW
_CH = 400
_NCH = _EPW // _CH

_EBLK = 6400


def _prep_body(h_ref, batch_ref, w1_ref, b1_ref, a_ref, b_ref):
    h = h_ref[...]
    batch = batch_ref[0, 0, :]
    ids = lax.broadcasted_iota(jnp.int32, (_G, _N_NODES), 0)
    oh = jnp.where(ids == batch[None, :], 1.0, 0.0)
    sums = jnp.dot(oh, h, preferred_element_type=jnp.float32)
    counts = jnp.sum(oh, axis=1, keepdims=True)
    means = sums / jnp.maximum(counts, 1.0)
    mp = jnp.dot(means, w1_ref[272:400, :], preferred_element_type=jnp.float32)
    ids2 = lax.broadcasted_iota(jnp.int32, (_N_NODES, _G), 1)
    oh2 = jnp.where(batch[:, None] == ids2, 1.0, 0.0)
    a_ref[...] = (jnp.dot(h, w1_ref[0:128, :], preferred_element_type=jnp.float32)
                  + jnp.dot(oh2, mp, preferred_element_type=jnp.float32)
                  + b1_ref[...])
    b_ref[...] = jnp.dot(h, w1_ref[128:256, :],
                         preferred_element_type=jnp.float32)


def _mlp_body(g_ref, ea3_ref, w1e_ref, w2_ref, b2_ref, out_ref):
    ea = ea3_ref[...].reshape(_EBLK, _E_DIM)
    z = g_ref[...] + jnp.dot(ea, w1e_ref[...], preferred_element_type=jnp.float32)
    rz3 = jnp.maximum(z, 0.0).reshape(_EBLK // 128, 128, _D)
    d = lax.dot_general(w2_ref[...], rz3, (((0,), (2,)), ((), ())),
                        preferred_element_type=jnp.float32)
    out_ref[...] = d + b2_ref[...]


def _gather_sum(a_tab, b_tab, s_idx, t_idx):
    mesh = plsc.VectorSubcoreMesh(core_axis_name="c", subcore_axis_name="s")

    @functools.partial(
        pl.kernel, mesh=mesh,
        out_type=jax.ShapeDtypeStruct((_N_EDGES, _D), jnp.float32),
        scratch_types=[
            pltpu.VMEM((_CH,), jnp.int32),
            pltpu.VMEM((_CH,), jnp.int32),
            pltpu.VMEM((_CH, _D), jnp.float32),
            pltpu.VMEM((_CH, _D), jnp.float32),
            pltpu.SemaphoreType.DMA,
            pltpu.SemaphoreType.DMA,
        ],
    )
    def k(a_hbm, b_hbm, s_hbm, t_hbm, out_hbm, sv, tv, ra, rb, sem_a, sem_b):
        wid = lax.axis_index("s") * _NC + lax.axis_index("c")
        base = wid * _EPW

        def chunk(j, carry):
            off = base + j * _CH
            pltpu.sync_copy(s_hbm.at[pl.ds(off, _CH)], sv)
            pltpu.sync_copy(t_hbm.at[pl.ds(off, _CH)], tv)
            ca = pltpu.async_copy(a_hbm.at[sv], ra, sem_a)
            cb = pltpu.async_copy(b_hbm.at[tv], rb, sem_b)
            ca.wait()
            cb.wait()

            def row(r, c2):
                for cc in range(_D // 16):
                    sl = pl.ds(cc * 16, 16)
                    plsc.addupdate(ra.at[r, sl], rb[r, sl])
                return c2

            lax.fori_loop(0, _CH, row, 0)
            pltpu.sync_copy(ra, out_hbm.at[pl.ds(off, _CH)])
            return carry

        lax.fori_loop(0, _NCH, chunk, 0)

    return k(a_tab, b_tab, s_idx, t_idx)


def kernel(h, ei, ea, batch, W1, b1, W2, b2):
    s = ei[0].astype(jnp.int32)
    t = ei[1].astype(jnp.int32)
    batch3 = batch.astype(jnp.int32).reshape(1, 1, _N_NODES)
    a_tab, b_tab = pl.pallas_call(
        _prep_body,
        out_shape=(jax.ShapeDtypeStruct((_N_NODES, _D), jnp.float32),
                   jax.ShapeDtypeStruct((_N_NODES, _D), jnp.float32)),
    )(h, batch3, W1, b1.reshape(1, _D))
    g = _gather_sum(a_tab, b_tab, s, t)
    ea3 = ea.reshape(_N_EDGES // 128, 128, _E_DIM)
    out = pl.pallas_call(
        _mlp_body,
        grid=(_N_EDGES // _EBLK,),
        in_specs=[
            pl.BlockSpec((_EBLK, _D), lambda i: (i, 0)),
            pl.BlockSpec((_EBLK // 128, 128, _E_DIM), lambda i: (i, 0, 0)),
            pl.BlockSpec((_E_DIM, _D), lambda i: (0, 0)),
            pl.BlockSpec((_D, 1), lambda i: (0, 0)),
            pl.BlockSpec((1, 1), lambda i: (0, 0)),
        ],
        out_specs=pl.BlockSpec((1, _EBLK // 128, 128), lambda i: (i, 0, 0)),
        out_shape=jax.ShapeDtypeStruct(
            (_N_EDGES // _EBLK, _EBLK // 128, 128), jnp.float32),
    )(g, ea3, W1[256:272], W2, b2.reshape(1, 1))
    return out.reshape(_N_EDGES, 1)

# --- scband reference (transcript-rebuilt; emitter-appended) ---
"""Pipeline reference for scband-link-classifier-85074712199862 (READ-ONLY COPY).

The authoritative reference and input builder live on the scoring server;
editing this copy changes nothing except your own understanding.
"""

import jax, jax.numpy as jnp
import numpy as np

N_NODES = 10000
N_EDGES = 320000
NODE_DIM = 128
EDGE_DIM = 16
NUM_GRAPHS = 64
HIDDEN = 128


def setup_inputs(seed: int = 0) -> dict:
    key = jax.random.key(seed)
    k_h, k_ei, k_ea, k_b, k_w1, k_b1, k_w2, k_b2 = jax.random.split(key, 8)
    h = jax.random.normal(k_h, (N_NODES, NODE_DIM), dtype=jnp.float32)
    ei = jax.random.randint(k_ei, (2, N_EDGES), 0, N_NODES, dtype=jnp.int64)
    ea = jax.random.normal(k_ea, (N_EDGES, EDGE_DIM), dtype=jnp.float32)
    batch = jnp.sort(jax.random.randint(k_b, (N_NODES,), 0, NUM_GRAPHS, dtype=jnp.int64))
    in_dim = NODE_DIM * 3 + EDGE_DIM
    W1 = jax.random.normal(k_w1, (in_dim, HIDDEN), dtype=jnp.float32) * (1.0 / np.sqrt(in_dim))
    b1 = jnp.zeros((HIDDEN,), dtype=jnp.float32)
    W2 = jax.random.normal(k_w2, (HIDDEN, 1), dtype=jnp.float32) * (1.0 / np.sqrt(HIDDEN))
    b2 = jnp.zeros((1,), dtype=jnp.float32)
    return {"h": h, "ei": ei, "ea": ea, "batch": batch, "W1": W1, "b1": b1, "W2": W2, "b2": b2}


def reference(h, ei, ea, batch, W1, b1, W2, b2):
    s = ei[0]
    t = ei[1]
    # global_mean_pool(h, batch): per-graph mean via segment_sum
    sums = jax.ops.segment_sum(h, batch, num_segments=NUM_GRAPHS)
    counts = jax.ops.segment_sum(jnp.ones((h.shape[0],), dtype=h.dtype), batch, num_segments=NUM_GRAPHS)
    means = sums / jnp.maximum(counts, 1.0)[:, None]
    g = means[batch[s]]
    feat = jnp.concatenate([h[s], h[t], ea, g], axis=-1)
    hid = jnp.maximum(feat @ W1 + b1, 0.0)
    out = hid @ W2 + b2
    return out

if __name__ == "__main__":
    import jax
    _d = setup_inputs()
    print(jax.jit(kernel)(*tuple(_d.values())))

</pallas_src>

<mosaic_0001>
#map = affine_map<(d0, d1) -> (0, 0)>
#map1 = affine_map<(d0, d1) -> (0)>
module attributes {stable_mosaic.version = 14 : i64} {
  func.func @k(%arg0: i32, %arg1: i32, %arg2: memref<10000x128xf32, #tpu.memory_space<hbm>>, %arg3: memref<10000x128xf32, #tpu.memory_space<hbm>>, %arg4: memref<320000xi32, #tpu.memory_space<hbm>>, %arg5: memref<320000xi32, #tpu.memory_space<hbm>>, %arg6: memref<320000x128xf32, #tpu.memory_space<hbm>>, %arg7: memref<400xi32, #tpu.memory_space<vmem>>, %arg8: memref<400xi32, #tpu.memory_space<vmem>>, %arg9: memref<400x128xf32, #tpu.memory_space<vmem>>, %arg10: memref<400x128xf32, #tpu.memory_space<vmem>>, %arg11: memref<!tpu.dma_semaphore, #tpu.memory_space<semaphore_mem>>, %arg12: memref<!tpu.dma_semaphore, #tpu.memory_space<semaphore_mem>>) attributes {dimension_semantics = [#tpu.dimension_semantics<core_parallel>, #tpu.dimension_semantics<subcore_parallel>], iteration_bounds = array<i64: 2, 16>, scalar_prefetch = 0 : i64, scratch_operands = 6 : i64, tpu.core_type = #tpu.core_type<sc_vector_subcore>, window_params = [{transform_indices = #map}, {transform_indices = #map}, {transform_indices = #map1}, {transform_indices = #map1}, {transform_indices = #map}]} {
    %mul3A = arith.constant 2 : i32
    %mul3A_0 = arith.muli %arg1, %mul3A : i32
    %add3A = arith.addi %mul3A_0, %arg0 : i32
    %mul3A_1 = arith.constant 10000 : i32
    %mul3A_2 = arith.muli %add3A, %mul3A_1 : i32
    %scan3A = arith.constant 0 : i32
    %scan3A_3 = arith.constant 0 : i32
    %scan3A_4 = arith.constant 25 : i32
    %scan3A_5 = arith.addi %scan3A_3, %scan3A_4 : i32
    %scan3A_6 = arith.constant 1 : i32
    scf.for %scan3A_8 = %scan3A_3 to %scan3A_5 step %scan3A_6  : i32 {
      %mul3A_9 = arith.constant 400 : i32
      %mul3A_10 = arith.muli %scan3A_8, %mul3A_9 : i32
      %add3A_11 = arith.addi %mul3A_2, %mul3A_10 : i32
      "tpu.region"() ({
        %run_scoped3A = tpu.sem_alloc : memref<!tpu.dma_semaphore, #tpu.memory_space<semaphore_mem>>
        %dma_start3A_28 = tpu.memref_slice %arg4[%add3A_11] : memref<320000xi32, #tpu.memory_space<hbm>> -> memref<400xi32, #tpu.memory_space<hbm>>
        %dma_start3A_29 = tpu.memref_slice %arg4[%add3A_11] : memref<320000xi32, #tpu.memory_space<hbm>> -> memref<400xi32, #tpu.memory_space<hbm>>
        tpu.enqueue_dma source(%dma_start3A_29 : memref<400xi32, #tpu.memory_space<hbm>>) target(%arg7 : memref<400xi32, #tpu.memory_space<vmem>>) target_semaphore(%run_scoped3A : memref<!tpu.dma_semaphore, #tpu.memory_space<semaphore_mem>>)
        %dma_wait3A_30 = tpu.memref_slice %arg4[%add3A_11] : memref<320000xi32, #tpu.memory_space<hbm>> -> memref<400xi32, #tpu.memory_space<hbm>>
        %dma_wait3A_31 = tpu.memref_slice %arg4[%add3A_11] : memref<320000xi32, #tpu.memory_space<hbm>> -> memref<400xi32, #tpu.memory_space<hbm>>
        tpu.wait_dma2 semaphore(%run_scoped3A : memref<!tpu.dma_semaphore, #tpu.memory_space<semaphore_mem>>) src(%dma_wait3A_31 : memref<400xi32, #tpu.memory_space<hbm>>) dst(%arg7 : memref<400xi32, #tpu.memory_space<vmem>>)
        tpu.yield
      }) : () -> ()
      "tpu.region"() ({
        %run_scoped3A = tpu.sem_alloc : memref<!tpu.dma_semaphore, #tpu.memory_space<semaphore_mem>>
        %dma_start3A_28 = tpu.memref_slice %arg5[%add3A_11] : memref<320000xi32, #tpu.memory_space<hbm>> -> memref<400xi32, #tpu.memory_space<hbm>>
        %dma_start3A_29 = tpu.memref_slice %arg5[%add3A_11] : memref<320000xi32, #tpu.memory_space<hbm>> -> memref<400xi32, #tpu.memory_space<hbm>>
        tpu.enqueue_dma source(%dma_start3A_29 : memref<400xi32, #tpu.memory_space<hbm>>) target(%arg8 : memref<400xi32, #tpu.memory_space<vmem>>) target_semaphore(%run_scoped3A : memref<!tpu.dma_semaphore, #tpu.memory_space<semaphore_mem>>)
        %dma_wait3A_30 = tpu.memref_slice %arg5[%add3A_11] : memref<320000xi32, #tpu.memory_space<hbm>> -> memref<400xi32, #tpu.memory_space<hbm>>
        %dma_wait3A_31 = tpu.memref_slice %arg5[%add3A_11] : memref<320000xi32, #tpu.memory_space<hbm>> -> memref<400xi32, #tpu.memory_space<hbm>>
        tpu.wait_dma2 semaphore(%run_scoped3A : memref<!tpu.dma_semaphore, #tpu.memory_space<semaphore_mem>>) src(%dma_wait3A_31 : memref<400xi32, #tpu.memory_space<hbm>>) dst(%arg8 : memref<400xi32, #tpu.memory_space<vmem>>)
        tpu.yield
      }) : () -> ()
      %dma_start3A = arith.constant 0 : i32
      %dma_start3A_12 = arith.constant 0 : i32
      %dma_start3A_13 = tpu.memref_slice %arg2[%dma_start3A, %dma_start3A_12] : memref<10000x128xf32, #tpu.memory_space<hbm>> -> memref<10000x128xf32, #tpu.memory_space<hbm>>
      tpu.enqueue_indirect_dma source(%dma_start3A_13 : memref<10000x128xf32, #tpu.memory_space<hbm>>) target(%arg9 : memref<400x128xf32, #tpu.memory_space<vmem>>) offsets(%arg7 : memref<400xi32, #tpu.memory_space<vmem>>) semaphore(%arg11 : memref<!tpu.dma_semaphore, #tpu.memory_space<semaphore_mem>>)
      %dma_start3A_14 = arith.constant 0 : i32
      %dma_start3A_15 = arith.constant 0 : i32
      %dma_start3A_16 = tpu.memref_slice %arg3[%dma_start3A_14, %dma_start3A_15] : memref<10000x128xf32, #tpu.memory_space<hbm>> -> memref<10000x128xf32, #tpu.memory_space<hbm>>
      tpu.enqueue_indirect_dma source(%dma_start3A_16 : memref<10000x128xf32, #tpu.memory_space<hbm>>) target(%arg10 : memref<400x128xf32, #tpu.memory_space<vmem>>) offsets(%arg8 : memref<400xi32, #tpu.memory_space<vmem>>) semaphore(%arg12 : memref<!tpu.dma_semaphore, #tpu.memory_space<semaphore_mem>>)
      %dma_wait3A = arith.constant 0 : i32
      %dma_wait3A_17 = arith.constant 0 : i32
      %dma_wait3A_18 = tpu.memref_slice %arg2[%dma_wait3A, %dma_wait3A_17] : memref<10000x128xf32, #tpu.memory_space<hbm>> -> memref<10000x128xf32, #tpu.memory_space<hbm>>
      tpu.wait_indirect_dma semaphore(%arg11 : memref<!tpu.dma_semaphore, #tpu.memory_space<semaphore_mem>>) src(%dma_wait3A_18 : memref<10000x128xf32, #tpu.memory_space<hbm>>) dst(%arg9 : memref<400x128xf32, #tpu.memory_space<vmem>>)
      %dma_wait3A_19 = arith.constant 0 : i32
      %dma_wait3A_20 = arith.constant 0 : i32
      %dma_wait3A_21 = tpu.memref_slice %arg3[%dma_wait3A_19, %dma_wait3A_20] : memref<10000x128xf32, #tpu.memory_space<hbm>> -> memref<10000x128xf32, #tpu.memory_space<hbm>>
      tpu.wait_indirect_dma semaphore(%arg12 : memref<!tpu.dma_semaphore, #tpu.memory_space<semaphore_mem>>) src(%dma_wait3A_21 : memref<10000x128xf32, #tpu.memory_space<hbm>>) dst(%arg10 : memref<400x128xf32, #tpu.memory_space<vmem>>)
      %scan3A_22 = arith.constant 0 : i32
      %scan3A_23 = arith.constant 0 : i32
      %scan3A_24 = arith.constant 400 : i32
      %scan3A_25 = arith.addi %scan3A_23, %scan3A_24 : i32
      %scan3A_26 = arith.constant 1 : i32
      scf.for %scan3A_28 = %scan3A_23 to %scan3A_25 step %scan3A_26  : i32 {
        %get3A = arith.index_cast %scan3A_28 : i32 to index
        %get3A_29 = arith.constant 0 : index
        %get3A_30 = tpu.vector_load %arg10[%get3A, %get3A_29] {strides = array<i32>} : memref<400x128xf32, #tpu.memory_space<vmem>>, vector<1x16xf32>,
        %get3A_31 = vector.shape_cast %get3A_30 : vector<1x16xf32> to vector<16xf32>
        %swap3A = arith.index_cast %scan3A_28 : i32 to index
        %swap3A_32 = arith.constant 0 : index
        %swap3A_33 = tpu.vector_load %arg9[%swap3A, %swap3A_32] {strides = array<i32>} : memref<400x128xf32, #tpu.memory_space<vmem>>, vector<1x16xf32>,
        %swap3A_34 = vector.shape_cast %swap3A_33 : vector<1x16xf32> to vector<16xf32>
        %swap3A_35 = vector.shape_cast %get3A_31 : vector<16xf32> to vector<1x16xf32>
        tpu.vector_store %arg9[%swap3A, %swap3A_32], %swap3A_35 {add = true, strides = array<i32>} : memref<400x128xf32, #tpu.memory_space<vmem>>, vector<1x16xf32>,
        %get3A_36 = arith.index_cast %scan3A_28 : i32 to index
        %get3A_37 = arith.constant 16 : index
        %get3A_38 = tpu.vector_load %arg10[%get3A_36, %get3A_37] {strides = array<i32>} : memref<400x128xf32, #tpu.memory_space<vmem>>, vector<1x16xf32>,
        %get3A_39 = vector.shape_cast %get3A_38 : vector<1x16xf32> to vector<16xf32>
        %swap3A_40 = arith.index_cast %scan3A_28 : i32 to index
        %swap3A_41 = arith.constant 16 : index
        %swap3A_42 = tpu.vector_load %arg9[%swap3A_40, %swap3A_41] {strides = array<i32>} : memref<400x128xf32, #tpu.memory_space<vmem>>, vector<1x16xf32>,
        %swap3A_43 = vector.shape_cast %swap3A_42 : vector<1x16xf32> to vector<16xf32>
        %swap3A_44 = vector.shape_cast %get3A_39 : vector<16xf32> to vector<1x16xf32>
        tpu.vector_store %arg9[%swap3A_40, %swap3A_41], %swap3A_44 {add = true, strides = array<i32>} : memref<400x128xf32, #tpu.memory_space<vmem>>, vector<1x16xf32>,
        %get3A_45 = arith.index_cast %scan3A_28 : i32 to index
        %get3A_46 = arith.constant 32 : index
        %get3A_47 = tpu.vector_load %arg10[%get3A_45, %get3A_46] {strides = array<i32>} : memref<400x128xf32, #tpu.memory_space<vmem>>, vector<1x16xf32>,
        %get3A_48 = vector.shape_cast %get3A_47 : vector<1x16xf32> to vector<16xf32>
        %swap3A_49 = arith.index_cast %scan3A_28 : i32 to index
        %swap3A_50 = arith.constant 32 : index
        %swap3A_51 = tpu.vector_load %arg9[%swap3A_49, %swap3A_50] {strides = array<i32>} : memref<400x128xf32, #tpu.memory_space<vmem>>, vector<1x16xf32>,
        %swap3A_52 = vector.shape_cast %swap3A_51 : vector<1x16xf32> to vector<16xf32>
        %swap3A_53 = vector.shape_cast %get3A_48 : vector<16xf32> to vector<1x16xf32>
        tpu.vector_store %arg9[%swap3A_49, %swap3A_50], %swap3A_53 {add = true, strides = array<i32>} : memref<400x128xf32, #tpu.memory_space<vmem>>, vector<1x16xf32>,
        %get3A_54 = arith.index_cast %scan3A_28 : i32 to index
        %get3A_55 = arith.constant 48 : index
        %get3A_56 = tpu.vector_load %arg10[%get3A_54, %get3A_55] {strides = array<i32>} : memref<400x128xf32, #tpu.memory_space<vmem>>, vector<1x16xf32>,
        %get3A_57 = vector.shape_cast %get3A_56 : vector<1x16xf32> to vector<16xf32>
        %swap3A_58 = arith.index_cast %scan3A_28 : i32 to index
        %swap3A_59 = arith.constant 48 : index
        %swap3A_60 = tpu.vector_load %arg9[%swap3A_58, %swap3A_59] {strides = array<i32>} : memref<400x128xf32, #tpu.memory_space<vmem>>, vector<1x16xf32>,
        %swap3A_61 = vector.shape_cast %swap3A_60 : vector<1x16xf32> to vector<16xf32>
        %swap3A_62 = vector.shape_cast %get3A_57 : vector<16xf32> to vector<1x16xf32>
        tpu.vector_store %arg9[%swap3A_58, %swap3A_59], %swap3A_62 {add = true, strides = array<i32>} : memref<400x128xf32, #tpu.memory_space<vmem>>, vector<1x16xf32>,
        %get3A_63 = arith.index_cast %scan3A_28 : i32 to index
        %get3A_64 = arith.constant 64 : index
        %get3A_65 = tpu.vector_load %arg10[%get3A_63, %get3A_64] {strides = array<i32>} : memref<400x128xf32, #tpu.memory_space<vmem>>, vector<1x16xf32>,
        %get3A_66 = vector.shape_cast %get3A_65 : vector<1x16xf32> to vector<16xf32>
        %swap3A_67 = arith.index_cast %scan3A_28 : i32 to index
        %swap3A_68 = arith.constant 64 : index
        %swap3A_69 = tpu.vector_load %arg9[%swap3A_67, %swap3A_68] {strides = array<i32>} : memref<400x128xf32, #tpu.memory_space<vmem>>, vector<1x16xf32>,
        %swap3A_70 = vector.shape_cast %swap3A_69 : vector<1x16xf32> to vector<16xf32>
        %swap3A_71 = vector.shape_cast %get3A_66 : vector<16xf32> to vector<1x16xf32>
        tpu.vector_store %arg9[%swap3A_67, %swap3A_68], %swap3A_71 {add = true, strides = array<i32>} : memref<400x128xf32, #tpu.memory_space<vmem>>, vector<1x16xf32>,
        %get3A_72 = arith.index_cast %scan3A_28 : i32 to index
        %get3A_73 = arith.constant 80 : index
        %get3A_74 = tpu.vector_load %arg10[%get3A_72, %get3A_73] {strides = array<i32>} : memref<400x128xf32, #tpu.memory_space<vmem>>, vector<1x16xf32>,
        %get3A_75 = vector.shape_cast %get3A_74 : vector<1x16xf32> to vector<16xf32>
        %swap3A_76 = arith.index_cast %scan3A_28 : i32 to index
        %swap3A_77 = arith.constant 80 : index
        %swap3A_78 = tpu.vector_load %arg9[%swap3A_76, %swap3A_77] {strides = array<i32>} : memref<400x128xf32, #tpu.memory_space<vmem>>, vector<1x16xf32>,
        %swap3A_79 = vector.shape_cast %swap3A_78 : vector<1x16xf32> to vector<16xf32>
        %swap3A_80 = vector.shape_cast %get3A_75 : vector<16xf32> to vector<1x16xf32>
        tpu.vector_store %arg9[%swap3A_76, %swap3A_77], %swap3A_80 {add = true, strides = array<i32>} : memref<400x128xf32, #tpu.memory_space<vmem>>, vector<1x16xf32>,
        %get3A_81 = arith.index_cast %scan3A_28 : i32 to index
        %get3A_82 = arith.constant 96 : index
        %get3A_83 = tpu.vector_load %arg10[%get3A_81, %get3A_82] {strides = array<i32>} : memref<400x128xf32, #tpu.memory_space<vmem>>, vector<1x16xf32>,
        %get3A_84 = vector.shape_cast %get3A_83 : vector<1x16xf32> to vector<16xf32>
        %swap3A_85 = arith.index_cast %scan3A_28 : i32 to index
        %swap3A_86 = arith.constant 96 : index
        %swap3A_87 = tpu.vector_load %arg9[%swap3A_85, %swap3A_86] {strides = array<i32>} : memref<400x128xf32, #tpu.memory_space<vmem>>, vector<1x16xf32>,
        %swap3A_88 = vector.shape_cast %swap3A_87 : vector<1x16xf32> to vector<16xf32>
        %swap3A_89 = vector.shape_cast %get3A_84 : vector<16xf32> to vector<1x16xf32>
        tpu.vector_store %arg9[%swap3A_85, %swap3A_86], %swap3A_89 {add = true, strides = array<i32>} : memref<400x128xf32, #tpu.memory_space<vmem>>, vector<1x16xf32>,
        %get3A_90 = arith.index_cast %scan3A_28 : i32 to index
        %get3A_91 = arith.constant 112 : index
        %get3A_92 = tpu.vector_load %arg10[%get3A_90, %get3A_91] {strides = array<i32>} : memref<400x128xf32, #tpu.memory_space<vmem>>, vector<1x16xf32>,
        %get3A_93 = vector.shape_cast %get3A_92 : vector<1x16xf32> to vector<16xf32>
        %swap3A_94 = arith.index_cast %scan3A_28 : i32 to index
        %swap3A_95 = arith.constant 112 : index
        %swap3A_96 = tpu.vector_load %arg9[%swap3A_94, %swap3A_95] {strides = array<i32>} : memref<400x128xf32, #tpu.memory_space<vmem>>, vector<1x16xf32>,
        %swap3A_97 = vector.shape_cast %swap3A_96 : vector<1x16xf32> to vector<16xf32>
        %swap3A_98 = vector.shape_cast %get3A_93 : vector<16xf32> to vector<1x16xf32>
        tpu.vector_store %arg9[%swap3A_94, %swap3A_95], %swap3A_98 {add = true, strides = array<i32>} : memref<400x128xf32, #tpu.memory_space<vmem>>, vector<1x16xf32>,
      }
      %scan3A_27 = arith.constant 400 : i32
      "tpu.region"() ({
        %run_scoped3A = tpu.sem_alloc : memref<!tpu.dma_semaphore, #tpu.memory_space<semaphore_mem>>
        %dma_start3A_28 = arith.constant 0 : i32
        %dma_start3A_29 = tpu.memref_slice %arg6[%add3A_11, %dma_start3A_28] : memref<320000x128xf32, #tpu.memory_space<hbm>> -> memref<400x128xf32, #tpu.memory_space<hbm>>
        %dma_start3A_30 = arith.constant 0 : i32
        %dma_start3A_31 = tpu.memref_slice %arg6[%add3A_11, %dma_start3A_30] : memref<320000x128xf32, #tpu.memory_space<hbm>> -> memref<400x128xf32, #tpu.memory_space<hbm>>
        tpu.enqueue_dma source(%arg9 : memref<400x128xf32, #tpu.memory_space<vmem>>) target(%dma_start3A_31 : memref<400x128xf32, #tpu.memory_space<hbm>>) target_semaphore(%run_scoped3A : memref<!tpu.dma_semaphore, #tpu.memory_space<semaphore_mem>>)
        %dma_wait3A_32 = arith.constant 0 : i32
        %dma_wait3A_33 = tpu.memref_slice %arg6[%add3A_11, %dma_wait3A_32] : memref<320000x128xf32, #tpu.memory_space<hbm>> -> memref<400x128xf32, #tpu.memory_space<hbm>>
        %dma_wait3A_34 = arith.constant 0 : i32
        %dma_wait3A_35 = tpu.memref_slice %arg6[%add3A_11, %dma_wait3A_34] : memref<320000x128xf32, #tpu.memory_space<hbm>> -> memref<400x128xf32, #tpu.memory_space<hbm>>
        tpu.wait_dma2 semaphore(%run_scoped3A : memref<!tpu.dma_semaphore, #tpu.memory_space<semaphore_mem>>) src(%arg9 : memref<400x128xf32, #tpu.memory_space<vmem>>) dst(%dma_wait3A_35 : memref<400x128xf32, #tpu.memory_space<hbm>>)
        tpu.yield
      }) : () -> ()
    }
    %scan3A_7 = arith.constant 25 : i32
    return
  }
}

module attributes {stable_mosaic.version = 14 : i64} {
  func.func @_prep_body(%arg0: memref<10000x128xf32, #tpu.memory_space<vmem>>, %arg1: memref<1x1x10000xi32, #tpu.memory_space<vmem>>, %arg2: memref<400x128xf32, #tpu.memory_space<vmem>>, %arg3: memref<1x128xf32, #tpu.memory_space<vmem>>, %arg4: memref<10000x128xf32, #tpu.memory_space<vmem>>, %arg5: memref<10000x128xf32, #tpu.memory_space<vmem>>) attributes {dimension_semantics = [], scalar_prefetch = 0 : i64, scratch_operands = 0 : i64, tpu.core_type = #tpu.core_type<tc>} {
    %get3A = arith.constant 0 : index
    %get3A_0 = arith.constant 0 : index
    %get3A_1 = vector.load %arg0[%get3A, %get3A_0] : memref<10000x128xf32, #tpu.memory_space<vmem>>, vector<10000x128xf32>
    %get3A_2 = arith.constant 0 : index
    %get3A_3 = arith.constant 0 : index
    %get3A_4 = arith.constant 0 : index
    %get3A_5 = vector.load %arg1[%get3A_2, %get3A_3, %get3A_4] : memref<1x1x10000xi32, #tpu.memory_space<vmem>>, vector<1x1x10000xi32>
    %get3A_6 = vector.shape_cast %get3A_5 : vector<1x1x10000xi32> to vector<10000xi32>
    %iota3A = tpu.iota {dimensions = array<i32: 0>} : vector<64x10000xi32>
    %broadcast_in_dim3A = vector.shape_cast %get3A_6 : vector<10000xi32> to vector<1x10000xi32>
    %eq3A = vector.broadcast %broadcast_in_dim3A : vector<1x10000xi32> to vector<64x10000xi32>
    %eq3A_7 = arith.cmpi eq, %iota3A, %eq3A : vector<64x10000xi32>
    %jit3A = arith.constant 1.000000e+00 : f32
    %jit3A_8 = arith.constant 0.000000e+00 : f32
    %broadcast_in_dim3A_9 = vector.broadcast %jit3A : f32 to vector<64x10000xf32>
    %broadcast_in_dim3A_10 = vector.broadcast %jit3A_8 : f32 to vector<64x10000xf32>
    %select_n3A = arith.select %eq3A_7, %broadcast_in_dim3A_9, %broadcast_in_dim3A_10 : vector<64x10000xi1>, vector<64x10000xf32>
    %dot_general3A = arith.constant dense<0.000000e+00> : vector<64x128xf32>
    %dot_general3A_11 = tpu.matmul %select_n3A, %get3A_1, %dot_general3A {dimension_numbers = #tpu.dot_dimension_numbers<[1], [0], [0], [1], [0, 0, 1, 1], [], []>, transpose_lhs_hint = false} : vector<64x10000xf32>, vector<10000x128xf32>, vector<64x128xf32> -> vector<64x128xf32>
    %reduce_sum3A = arith.constant dense<0.000000e+00> : vector<64xf32>
    %reduce_sum3A_12 = vector.multi_reduction <add>, %select_n3A, %reduce_sum3A [1] : vector<64x10000xf32> to vector<64xf32>
    %broadcast_in_dim3A_13 = vector.shape_cast %reduce_sum3A_12 : vector<64xf32> to vector<64x1xf32>
    %max3A = arith.constant 1.000000e+00 : f32
    %max3A_14 = vector.broadcast %max3A : f32 to vector<64x1xf32>
    %max3A_15 = arith.maximumf %broadcast_in_dim3A_13, %max3A_14 : vector<64x1xf32>
    %div3A = vector.broadcast %max3A_15 : vector<64x1xf32> to vector<64x128xf32>
    %div3A_16 = arith.divf %dot_general3A_11, %div3A : vector<64x128xf32>
    %get3A_17 = arith.constant 272 : index
    %get3A_18 = arith.constant 0 : index
    %get3A_19 = vector.load %arg2[%get3A_17, %get3A_18] : memref<400x128xf32, #tpu.memory_space<vmem>>, vector<128x128xf32>
    %dot_general3A_20 = arith.constant dense<0.000000e+00> : vector<64x128xf32>
    %dot_general3A_21 = tpu.matmul %div3A_16, %get3A_19, %dot_general3A_20 {dimension_numbers = #tpu.dot_dimension_numbers<[1], [0], [0], [1], [0, 0, 1, 1], [], []>, transpose_lhs_hint = false} : vector<64x128xf32>, vector<128x128xf32>, vector<64x128xf32> -> vector<64x128xf32>
    %iota3A_22 = tpu.iota {dimensions = array<i32: 1>} : vector<10000x64xi32>
    %broadcast_in_dim3A_23 = vector.shape_cast %get3A_6 : vector<10000xi32> to vector<10000x1xi32>
    %eq3A_24 = vector.broadcast %broadcast_in_dim3A_23 : vector<10000x1xi32> to vector<10000x64xi32>
    %eq3A_25 = arith.cmpi eq, %eq3A_24, %iota3A_22 : vector<10000x64xi32>
    %jit3A_26 = arith.constant 1.000000e+00 : f32
    %jit3A_27 = arith.constant 0.000000e+00 : f32
    %broadcast_in_dim3A_28 = vector.broadcast %jit3A_26 : f32 to vector<10000x64xf32>
    %broadcast_in_dim3A_29 = vector.broadcast %jit3A_27 : f32 to vector<10000x64xf32>
    %select_n3A_30 = arith.select %eq3A_25, %broadcast_in_dim3A_28, %broadcast_in_dim3A_29 : vector<10000x64xi1>, vector<10000x64xf32>
    %get3A_31 = arith.constant 0 : index
    %get3A_32 = arith.constant 0 : index
    %get3A_33 = vector.load %arg2[%get3A_31, %get3A_32] : memref<400x128xf32, #tpu.memory_space<vmem>>, vector<128x128xf32>
    %dot_general3A_34 = arith.constant dense<0.000000e+00> : vector<10000x128xf32>
    %dot_general3A_35 = tpu.matmul %get3A_1, %get3A_33, %dot_general3A_34 {dimension_numbers = #tpu.dot_dimension_numbers<[1], [0], [0], [1], [0, 0, 1, 1], [], []>, transpose_lhs_hint = false} : vector<10000x128xf32>, vector<128x128xf32>, vector<10000x128xf32> -> vector<10000x128xf32>
    %dot_general3A_36 = arith.constant dense<0.000000e+00> : vector<10000x128xf32>
    %dot_general3A_37 = tpu.matmul %select_n3A_30, %dot_general3A_21, %dot_general3A_36 {dimension_numbers = #tpu.dot_dimension_numbers<[1], [0], [0], [1], [0, 0, 1, 1], [], []>, transpose_lhs_hint = false} : vector<10000x64xf32>, vector<64x128xf32>, vector<10000x128xf32> -> vector<10000x128xf32>
    %add3A = arith.addf %dot_general3A_35, %dot_general3A_37 : vector<10000x128xf32>
    %get3A_38 = arith.constant 0 : index
    %get3A_39 = arith.constant 0 : index
    %get3A_40 = vector.load %arg3[%get3A_38, %get3A_39] : memref<1x128xf32, #tpu.memory_space<vmem>>, vector<1x128xf32>
    %add3A_41 = vector.broadcast %get3A_40 : vector<1x128xf32> to vector<10000x128xf32>
    %add3A_42 = arith.addf %add3A, %add3A_41 : vector<10000x128xf32>
    %swap3A = arith.constant 0 : index
    %swap3A_43 = arith.constant 0 : index
    %swap3A_44 = vector.load %arg4[%swap3A, %swap3A_43] : memref<10000x128xf32, #tpu.memory_space<vmem>>, vector<10000x128xf32>
    tpu.vector_store %arg4[%swap3A, %swap3A_43], %add3A_42 {strides = array<i32>} : memref<10000x128xf32, #tpu.memory_space<vmem>>, vector<10000x128xf32>,
    %get3A_45 = arith.constant 128 : index
    %get3A_46 = arith.constant 0 : index
    %get3A_47 = vector.load %arg2[%get3A_45, %get3A_46] : memref<400x128xf32, #tpu.memory_space<vmem>>, vector<128x128xf32>
    %dot_general3A_48 = arith.constant dense<0.000000e+00> : vector<10000x128xf32>
    %dot_general3A_49 = tpu.matmul %get3A_1, %get3A_47, %dot_general3A_48 {dimension_numbers = #tpu.dot_dimension_numbers<[1], [0], [0], [1], [0, 0, 1, 1], [], []>, transpose_lhs_hint = false} : vector<10000x128xf32>, vector<128x128xf32>, vector<10000x128xf32> -> vector<10000x128xf32>
    %swap3A_50 = arith.constant 0 : index
    %swap3A_51 = arith.constant 0 : index
    %swap3A_52 = vector.load %arg5[%swap3A_50, %swap3A_51] : memref<10000x128xf32, #tpu.memory_space<vmem>>, vector<10000x128xf32>
    tpu.vector_store %arg5[%swap3A_50, %swap3A_51], %dot_general3A_49 {strides = array<i32>} : memref<10000x128xf32, #tpu.memory_space<vmem>>, vector<10000x128xf32>,
    return
  }
}

module attributes {stable_mosaic.version = 14 : i64} {
  func.func @_mlp_body(%arg0: i32, %arg1: memref<6400x128xf32, #tpu.memory_space<vmem>>, %arg2: memref<50x128x16xf32, #tpu.memory_space<vmem>>, %arg3: memref<16x128xf32, #tpu.memory_space<vmem>>, %arg4: memref<128x1xf32, #tpu.memory_space<vmem>>, %arg5: memref<1x1xf32, #tpu.memory_space<vmem>>, %arg6: memref<1x50x128xf32, #tpu.memory_space<vmem>>) attributes {dimension_semantics = [#tpu.dimension_semantics<arbitrary>], iteration_bounds = array<i64: 50>, scalar_prefetch = 0 : i64, scratch_operands = 0 : i64, tpu.core_type = #tpu.core_type<tc>, window_params = [{transform_indices = @transform_0, window_bounds = array<i64: 6400, 128>}, {transform_indices = @transform_1, window_bounds = array<i64: 50, 128, 16>}, {pipeline_mode = #tpu.pipeline_mode<synchronous>, transform_indices = @transform_2, window_bounds = array<i64: 16, 128>}, {pipeline_mode = #tpu.pipeline_mode<synchronous>, transform_indices = @transform_3, window_bounds = array<i64: 128, 1>}, {pipeline_mode = #tpu.pipeline_mode<synchronous>, transform_indices = @transform_4, window_bounds = array<i64: 1, 1>}, {transform_indices = @transform_5, window_bounds = array<i64: 1, 50, 128>}]} {
    %get3A = arith.constant 0 : index
    %get3A_0 = arith.constant 0 : index
    %get3A_1 = arith.constant 0 : index
    %get3A_2 = vector.load %arg2[%get3A, %get3A_0, %get3A_1] : memref<50x128x16xf32, #tpu.memory_space<vmem>>, vector<50x128x16xf32>
    %reshape3A = vector.shape_cast %get3A_2 : vector<50x128x16xf32> to vector<6400x16xf32>
    %get3A_3 = arith.constant 0 : index
    %get3A_4 = arith.constant 0 : index
    %get3A_5 = vector.load %arg1[%get3A_3, %get3A_4] : memref<6400x128xf32, #tpu.memory_space<vmem>>, vector<6400x128xf32>
    %get3A_6 = arith.constant 0 : index
    %get3A_7 = arith.constant 0 : index
    %get3A_8 = vector.load %arg3[%get3A_6, %get3A_7] : memref<16x128xf32, #tpu.memory_space<vmem>>, vector<16x128xf32>
    %dot_general3A = arith.constant dense<0.000000e+00> : vector<6400x128xf32>
    %dot_general3A_9 = tpu.matmul %reshape3A, %get3A_8, %dot_general3A {dimension_numbers = #tpu.dot_dimension_numbers<[1], [0], [0], [1], [0, 0, 1, 1], [], []>, transpose_lhs_hint = false} : vector<6400x16xf32>, vector<16x128xf32>, vector<6400x128xf32> -> vector<6400x128xf32>
    %add3A = arith.addf %get3A_5, %dot_general3A_9 : vector<6400x128xf32>
    %max3A = arith.constant 0.000000e+00 : f32
    %max3A_10 = vector.broadcast %max3A : f32 to vector<6400x128xf32>
    %max3A_11 = arith.maximumf %add3A, %max3A_10 : vector<6400x128xf32>
    %reshape3A_12 = vector.shape_cast %max3A_11 : vector<6400x128xf32> to vector<50x128x128xf32>
    %get3A_13 = arith.constant 0 : index
    %get3A_14 = arith.constant 0 : index
    %get3A_15 = vector.load %arg4[%get3A_13, %get3A_14] : memref<128x1xf32, #tpu.memory_space<vmem>>, vector<128x1xf32>
    %dot_general3A_16 = arith.constant dense<0.000000e+00> : vector<1x50x128xf32>
    %dot_general3A_17 = tpu.matmul %get3A_15, %reshape3A_12, %dot_general3A_16 {dimension_numbers = #tpu.dot_dimension_numbers<[0], [2], [1], [0, 1], [0, 1, 1, 0, 1, 1], [], []>, transpose_lhs_hint = false} : vector<128x1xf32>, vector<50x128x128xf32>, vector<1x50x128xf32> -> vector<1x50x128xf32>
    %get3A_18 = arith.constant 0 : index
    %get3A_19 = arith.constant 0 : index
    %get3A_20 = vector.load %arg5[%get3A_18, %get3A_19] : memref<1x1xf32, #tpu.memory_space<vmem>>, vector<1x1xf32>
    %broadcast_in_dim3A = vector.shape_cast %get3A_20 : vector<1x1xf32> to vector<1x1x1xf32>
    %add3A_21 = vector.broadcast %broadcast_in_dim3A : vector<1x1x1xf32> to vector<1x50x128xf32>
    %add3A_22 = arith.addf %dot_general3A_17, %add3A_21 : vector<1x50x128xf32>
    %swap3A = arith.constant 0 : index
    %swap3A_23 = arith.constant 0 : index
    %swap3A_24 = arith.constant 0 : index
    %swap3A_25 = vector.load %arg6[%swap3A, %swap3A_23, %swap3A_24] : memref<1x50x128xf32, #tpu.memory_space<vmem>>, vector<1x50x128xf32>
    tpu.vector_store %arg6[%swap3A, %swap3A_23, %swap3A_24], %add3A_22 {strides = array<i32>} : memref<1x50x128xf32, #tpu.memory_space<vmem>>, vector<1x50x128xf32>,
    return
  }
  func.func @transform_0(%arg0: i32) -> (i32, i32) {
    %c0_i32 = arith.constant 0 : i32
    %c0_i32_0 = arith.constant 0 : i32
    return %arg0, %c0_i32 : i32, i32
  }
  func.func @transform_1(%arg0: i32) -> (i32, i32, i32) {
    %c0_i32 = arith.constant 0 : i32
    %c0_i32_0 = arith.constant 0 : i32
    %c0_i32_1 = arith.constant 0 : i32
    return %arg0, %c0_i32, %c0_i32_0 : i32, i32, i32
  }
  func.func @transform_2(%arg0: i32) -> (i32, i32) {
    %c0_i32 = arith.constant 0 : i32
    %c0_i32_0 = arith.constant 0 : i32
    %c0_i32_1 = arith.constant 0 : i32
    return %c0_i32, %c0_i32_0 : i32, i32
  }
  func.func @transform_3(%arg0: i32) -> (i32, i32) {
    %c0_i32 = arith.constant 0 : i32
    %c0_i32_0 = arith.constant 0 : i32
    %c0_i32_1 = arith.constant 0 : i32
    return %c0_i32, %c0_i32_0 : i32, i32
  }
  func.func @transform_4(%arg0: i32) -> (i32, i32) {
    %c0_i32 = arith.constant 0 : i32
    %c0_i32_0 = arith.constant 0 : i32
    %c0_i32_1 = arith.constant 0 : i32
    return %c0_i32, %c0_i32_0 : i32, i32
  }
  func.func @transform_5(%arg0: i32) -> (i32, i32, i32) {
    %c0_i32 = arith.constant 0 : i32
    %c0_i32_0 = arith.constant 0 : i32
    %c0_i32_1 = arith.constant 0 : i32
    return %arg0, %c0_i32, %c0_i32_0 : i32, i32, i32
  }
}

</mosaic_0001>

<sc_bundles>
// kernel: kernel.5.cloned.1.call-start
scs
__scs_entry_jumppad:
0x0: {  	(pc) =	sbr.rel $0x88, $3  }
0x1: {  	(tag) =	ssettag $0x0;
	lr =	simm.s32 $0x1  }
0x2: {  	[smem:$0x3F99] =	sst lr;
	_ =	strace $0xD0000000  }
0x3: {  	_ = 	snop  }
0x4: {  	_ = 	snop  }
0x5: {  	_ = 	snop  }
0x6: {  	_ = 	snop  }
0x7: {  	_ = 	snop  }
__scs_overlays_trampoline_lowered:
0x8: {  	[smem:$0x3FA8] =	sst s0  }
0x9: {  	[smem:$0x3FA9] =	sst s1  }
0xa: {  	[smem:$0x3FAA] =	sst s2  }
0xb: {  	[smem:$0x3FAB] =	sst s3  }
0xc: {  	[smem:$0x3FAC] =	sst s4  }
0xd: {  	[smem:$0x3FAD] =	sst s5  }
0xe: {  	[smem:$0x3FAE] =	sst s6  }
0xf: {  	[smem:$0x3FAF] =	sst s7  }
0x10: {  	[smem:$0x3FB0] =	sst s8  }
0x11: {  	[smem:$0x3FB1] =	sst s9;
	s0 =	simm.s32 @!p0 $0x0  }
0x12: {  	s1 =	sld [smem:$0x3F97];
	s0 =	simm.s32 @p0 $0x1  }
0x13: {  	[smem:$0x3FB2] =	sst s0;
	s0 =	simm.s32 @!p1 $0x0  }
0x14: {  	s2 =	sld [smem:$0x3F96];
	s0 =	simm.s32 @p1 $0x1  }
0x15: {  	[smem:$0x3FB3] =	sst s0;
	s0 =	simm.s32 @!p2 $0x0  }
0x16: {  	s3 =	sld [smem:$0x3FDB];
	s0 =	simm.s32 @p2 $0x1  }
0x17: {  	s4 =	simm.s32 $0x1BF5;
	[smem:$0x3FB5] =	sst s0  }
0x18: {  	s0 =	sld [smem:$0x3F98];
	_ =	swait.ge [sflag:s4], $0x0  }
0x19: {  	s7 =	sld [smem:$0x3F99]  }
0x1a: {  	s8 =	sadd.s32 $0xFFFFE003, lr  }
0x1b: {  	s9 =	sadd.s32 $0xFFFFFEF7, lr;
	s5 =	simm.s32 $0xFFFFFFFF;
	p2 =	slt.u32 s8, $0xFFFFF086  }
0x1c: {  	p1 =	slt.u32 s9, $0xF7A;
	s5 =	simm.s32 @!p2 $0x0  }
0x1d: {  	s5 =	simm.s32 @p1 $0x1;
	p0 =	seq.s32 s7, s2  }
0x1e: {  	s7 =	smul.u32 @!p0 $0xF7A, s2;
	p2 =	seq.s32 @!p0 s5, $0x0  }
0x1f: {  	s9 =	smul.u32 $0xF7A, s1;
	s8 =	simm.s32 @!p0 $0x1BF5;
	p2 =	por !p2, p0  }
0x20: {  	[sflag:s8] =	ssyncset.s32 @!p0 $0xFFFFF086;
	s6 =	sadd.s32 @!p0 s3, s7;
	s7 =	simm.s32 @!p0 $0x108  }
0x21: {  	s3 =	sadd.s32 s3, s9;
	s6 =	sadd.s32 @!p0 $0x88, s6;
	s7 =	simm.s32 @p2 $0x1082  }
0x22: {  	[simem:s7], [sflag:s8] =	dma.local @!p0 [hbm:s6], $0xF7A  }
0x23: {  	s9 =	sor.u32 $0xD0000000, s2;
	s6 =	simm.s32 $0x108;
	_ =	swait.ge @!p0 [sflag:s8], $0x0  }
0x24: {  	s3 =	sadd.s32 $0x88, s3;
	s6 =	simm.s32 @!p1 $0x1082;
	[sflag:s4] =	ssyncset.s32 $0xFFFFF086  }
0x25: {  	[simem:s6], [sflag:s4] =	dma.local [hbm:s3], $0xF7A  }
0x26: {  	[smem:$0x3F99] =	sst s1;
	(tag) =	ssettag s2;
	_ =	strace s9  }
0x27: {  	s1 =	sld [smem:$0x3FA9]  }
0x28: {  	s2 =	sld [smem:$0x3FAA]  }
0x29: {  	s4 =	sld [smem:$0x3FAC]  }
0x2a: {  	p0 =	seq.s32 s5, $0x0;
	s5 =	sld [smem:$0x3FAD]  }
0x2b: {  	s6 =	sld [smem:$0x3FAE]  }
0x2c: {  	s7 =	sld [smem:$0x3FAF]  }
0x2d: {  	s3 =	simm.s32 $0x108;
	s8 =	sld [smem:$0x3FB0]  }
0x2e: {  	s3 =	simm.s32 @!p0 $0x1082;
	s9 =	sld [smem:$0x3FB1]  }
0x2f: {  	lr =	sadd.s32 s0, s3;
	s0 =	sld [smem:$0x3FA8]  }
0x30: {  	s3 =	sld [smem:$0x3FAB]  }
0x31: {  	[smem:$0x3FB4] =	sst s10  }
0x32: {  	s10 =	sld [smem:$0x3FB2];
	_ =	sdelay $0x3  }
0x33: {  	p0 =	seq.s32 s10, $0x1;
	s10 =	sld [smem:$0x3FB4];
	_ =	sdelay $0x3  }
0x34: {  	[smem:$0x3FB4] =	sst s10  }
0x35: {  	s10 =	sld [smem:$0x3FB3];
	_ =	sdelay $0x3  }
0x36: {  	p1 =	seq.s32 s10, $0x1;
	s10 =	sld [smem:$0x3FB4];
	_ =	sdelay $0x3  }
0x37: {  	[smem:$0x3FB4] =	sst s10  }
0x38: {  	s10 =	sld [smem:$0x3FB5]  }
0x39: {  	_ = 	snop;
	(pc) =	sbr.ind lr, $3  }
0x3a: {  	_ = 	snop  }
0x3b: {  	_ = 	snop  }
0x3c: {  	p2 =	seq.s32 s10, $0x1;
	s10 =	sld [smem:$0x3FB4]  }
0x3d: {  	_ =	shalt  }
0x3e: {  	_ =	shalt  }
0x3f: {  	_ =	shalt  }
0x40: {  	_ =	shalt  }
0x41: {  	_ =	shalt  }
0x42: {  	_ =	shalt  }
0x43: {  	_ =	shalt  }
0x44: {  	_ =	shalt  }
0x45: {  	_ =	shalt  }
0x46: {  	_ =	shalt  }
0x47: {  	_ =	shalt  }
0x48: {  	_ =	shalt  }
0x49: {  	_ =	shalt  }
0x4a: {  	_ =	shalt  }
0x4b: {  	_ =	shalt  }
0x4c: {  	_ =	shalt  }
0x4d: {  	_ =	shalt  }
0x4e: {  	_ =	shalt  }
0x4f: {  	_ =	shalt  }
0x50: {  	_ =	shalt  }
0x51: {  	_ =	shalt  }
0x52: {  	_ =	shalt  }
0x53: {  	_ =	shalt  }
0x54: {  	_ =	shalt  }
0x55: {  	_ =	shalt  }
0x56: {  	_ =	shalt  }
0x57: {  	_ =	shalt  }
0x58: {  	_ =	shalt  }
0x59: {  	_ =	shalt  }
0x5a: {  	_ =	shalt  }
0x5b: {  	_ =	shalt  }
0x5c: {  	_ =	shalt  }
0x5d: {  	_ =	shalt  }
0x5e: {  	_ =	shalt  }
0x5f: {  	_ =	shalt  }
0x60: {  	_ =	shalt  }
0x61: {  	_ =	shalt  }
0x62: {  	_ =	shalt  }
0x63: {  	_ =	shalt  }
0x64: {  	_ =	shalt  }
0x65: {  	_ =	shalt  }
0x66: {  	_ =	shalt  }
0x67: {  	_ =	shalt  }
0x68: {  	_ =	shalt  }
0x69: {  	_ =	shalt  }
0x6a: {  	_ =	shalt  }
0x6b: {  	_ =	shalt  }
0x6c: {  	_ =	shalt  }
0x6d: {  	_ =	shalt  }
0x6e: {  	_ =	shalt  }
0x6f: {  	_ =	shalt  }
0x70: {  	_ =	shalt  }
0x71: {  	_ =	shalt  }
0x72: {  	_ =	shalt  }
0x73: {  	_ =	shalt  }
0x74: {  	_ =	shalt  }
0x75: {  	_ =	shalt  }
0x76: {  	_ =	shalt  }
0x77: {  	_ =	shalt  }
0x78: {  	_ =	shalt  }
0x79: {  	_ =	shalt  }
0x7a: {  	_ =	shalt  }
0x7b: {  	_ =	shalt  }
0x7c: {  	_ =	shalt  }
0x7d: {  	_ =	shalt  }
0x7e: {  	_ =	shalt  }
0x7f: {  	_ =	shalt  }
0x80: {  	_ =	shalt  }
0x81: {  	_ =	shalt  }
0x82: {  	_ =	shalt  }
0x83: {  	_ =	shalt  }
0x84: {  	_ =	shalt  }
0x85: {  	_ =	shalt  }
0x86: {  	_ =	shalt  }
0x87: {  	_ =	shalt  }
.Lfunc_end0:
.L_simem_size_0:
called_computation_lowered:
.L_overlay_start_0:
0x88: {  	s2 =	sld [smem:$0x3FD9]  }
0x89: {  	s3 =	sld [smem:$0x3FFE];
	_ =	sdelay $0x1  }
0x8a: {  	s1 =	srdreg.scid  }
0x8b: {  	s0 =	sand.u32 $0x1, s1  }
0x8c: {  	s16 =	sshll.u32 s0, $0xA;
	s2 =	sadd.s32 s3, s2  }
0x8d: {  	s2 =	sadd.s32 s2, s16  }
0x8e: {  	[smem:$0x3FC0] =	sst s2  }
0x8f: {  	_ = 	snop  }
0x90: {  	(tm) =	ssettm $0x1  }
0x91: {  	s17 =	sld [smem:$0x3FFB];
	_ =	sdelay $0x3  }
0x92: {  	_ =	strace s17  }
0x93: {  	s2 =	sld [smem:$0x3FFC];
	_ =	sdelay $0x3  }
0x94: {  	_ =	strace s2  }
0x95: {  	s2 =	sld [smem:$0x3FFD];
	_ =	sdelay $0x3  }
0x96: {  	_ =	strace s2  }
0x97: {  	_ =	strace $0x8FFFFFFF  }
0x98: {  	s18 =	sld [smem:$0x3FDB];
	_ =	sdelay $0x1  }
0x99: {  	s19 =	simm.s32 $_scs_section_size  }
0x9a: {  	s4 =	simm.s32 $_size__tile_overlayer_lowered;
	s5 =	simm.s32 $_tile_overlayer_lowered  }
0x9b: {  	s22 =	simm.s32 $0x1BFF;
	s21 =	sshll.u32 s5, $0x1;
	s2 =	sadd.s32 s19, s18  }
0x9c: {  	s6 =	simm.s32 $0x0;
	s20 =	sshll.u32 s4, $0x1;
	s4 =	sadd.s32 s21, s2  }
0x9d: {  	[timem:s6], [sflag:s22] =	dma.local [hbm:s4], s20  }
0x9e: {  	_ =	swait.ge [sflag:s22], s20  }
0x9f: {  	s3 =	ssub.s32 $0x0, s20;
	[sflag:s22] =	ssyncset.done $0x0  }
0xa0: {  	[sflag:s22] =	ssyncadd.s32 s3;
	_ =	sdelay $0x1  }
0xa1: {  	s23 =	simm.s32 $0x1B8B  }
0xa2: {  	_ =	swait.ge [sflag:s23], $0x1  }
0xa3: {  	[sflag:s23] =	ssyncset.done $0x0  }
0xa4: {  	s25 =	simm.s32 $0x1B8E;
	s24 =	sld [smem:$0x3FFE];
	[sflag:s23] =	ssyncadd.s32 $0xFFFFFFFF  }
0xa5: {  	s26 =	simm.s32 $execute0_lowered;
	[smem:$0x3FD2] =	sst s25  }
0xa6: {  	s4 =	sshll.u32 s26, $0x1;
	_ =	strace $0x80000046;
	[dreg:$0x1] =	wrdreg $0xFFFFFFFF  }
0xa7: {  	s28 =	simm.s32 $_size_execute0_lowered;
	s2 =	sadd.s32 s2, s4;
	[dreg:$0x0] =	wrdreg $0x0  }
0xa8: {  	s4 =	sshll.u32 s28, $0x1;
	[dreg:$0x2] =	wrdreg s2  }
0xa9: {  	[dreg:$0x3] =	wrdreg s4  }
0xaa: {  	[dreg:$0x4] =	wrdreg $0xC0  }
0xab: {  	_ =	task [dreg:s6], $0x5FFFF  }
0xac: {  	[dreg:$0x1] =	wrdreg $0xFFFFFFFF  }
0xad: {  	[dreg:$0x0] =	wrdreg $0x60  }
0xae: {  	[dreg:$0x2] =	wrdreg s24  }
0xaf: {  	[dreg:$0x3] =	wrdreg $0x9  }
0xb0: {  	_ =	task.clear_ibuf [dreg:s6], $0x4FFFF;
	_ =	strace $0x90000046  }
0xb1: {  	s29 =	simm.s32 $0x9;
	_ =	strace $0x80000048  }
0xb2: {  	_ =	swait.ge [sflag:s29], $0x1  }
0xb3: {  	[sflag:s29] =	ssyncadd.s32 $0xFFFFFFFF  }
0xb4: {  	_ =	strace $0x90000048  }
0xb5: {  	_ =	sfence  }
0xb6: {  	s30 =	sld [smem:$0x0];
	_ =	sdelay $0x2  }
0xb7: {  	s31 =	sshll.u32 s1, $0xD;
	s1 =	sshrl.u32 s1, $0x2  }
0xb8: {  	s3 =	sand.u32 $0x4000, s31;
	s1 =	sadd.s32 s1, s30  }
0xb9: {  	s0 =	sor.u32 s3, s0;
	s1 =	sshll.u32 s1, $0x11  }
0xba: {  	s0 =	sor.u32 s1, s0  }
0xbb: {  	s0 =	sadd.s32 $0x8F2B, s0  }
0xbc: {  	[sflag:s0] =	ssyncadd.remote.s32 $0x1  }
0xbd: {  	_ =	sfence.sel $0xFFFF  }
0xbe: {  	[dreg:$0x0] =	wrdreg $0xFFFFFFFF;
	(pc) =	sbr.abs _section_cstart, $3  }
0xbf: {  	[dreg:$0x1] =	wrdreg $0xFFFFFFFF  }
0xc0: {  	_ =	task.clear_ibuf [dreg:s6], $0x2FFFF;
	_ =	strace $0x9FFFFFFF  }
0xc1: {  	(tm) =	ssettm $0x7FFFFFFF  }
tec
execute0_lowered:
.L_overlay_start_1:
0x0: {  	(tag) =	ssettag $0x1  }
0x1: {  	s7 =	rddreg [dreg:$0x0]  }
0x2: {  	s0 =	rddreg [dreg:$0x1]  }
0x3: {  	s1 =	simm.s32 $0x0;
	s5 =	srdreg.scid;
	s2 =	stileid.u32  }
0x4: {  	s12 =	simm.s32 $0x190;
	s13 =	simm.s32 $0x400;
	s14 =	simm.s32 $0xCC00  }
0x5: {  	s15 =	simm.s32 $0x1;
	s16 =	simm.s32 $0x2;
	s17 =	simm.s32 $0x0  }
0x6: {  	s22 =	simm.s32 $0x0;
	[smem:$0x7FF] =	sst s1;
	s3 =	sadd.s32 $0x14600, s7  }
0x7: {  	s4 =	sadd.s32 $0x3B800, s7;
	s8 =	sand.u32 $0x1, s5;
	s5 =	sadd.s32 $0xA800, s7  }
0x8: {  	s10 =	sshll.u32 s2, $0x1;
	s6 =	sadd.s32 $0xA00, s7;
	s9 =	ssub.s32 $0x2, s8  }
0x9: {  	s7 =	sadd.s32 $0x62A00, s7;
	_ =	strace $0x80000047;
	s11 =	sshrl.u32 s9, $0x1  }
0xa: {  	s8 =	sor.u32 s8, s10;
	s10 =	simm.s32 $0x3;
	s9 =	ssub.s32 s9, s11  }
0xb: {  	s8 =	smul.u32 $0x2710, s8;
	s11 =	simm.s32 $0x200;
	s9 =	smax.u32 s9, $0x1  }
.LBB2_1:
0xc: {  	s18 =	simm.s32 $0x0  }
.LBB2_2:
0xd: {  	s19 =	smul.u32 $0x190, s18;
	_ =	sdelay $0x1  }
0xe: {  	s19 =	sadd.s32 s8, s19  }
0xf: {  	s20 =	sshrl.u32 s19, $0x3  }
0x10: {  	s21 =	sadd.s32 s5, s20  }
0x11: {  	[tilespmem:s22], [sflag:$0x3] =	stream.linear.gather [hbm4b:s21+s22], $0x190, $0x38;
	[tilespmem:$0x19400] =	vst v63  }
0x12: {  	_ =	swait.ge [sflag:s10], $0x190  }
0x13: {  	[sflag:s10] =	ssyncset.done $0x0  }
0x14: {  	s20 =	sadd.s32 s6, s20;
	[sflag:s10] =	ssyncadd.s32 $0xFFFFFE70  }
0x15: {  	[tilespmem:s11], [sflag:$0x3] =	stream.linear.gather [hbm4b:s20+s22], $0x190, $0x38;
	[tilespmem:$0x19400] =	vst v63  }
0x16: {  	_ =	swait.ge [sflag:s10], $0x190  }
0x17: {  	[sflag:s10] =	ssyncset.done $0x0  }
0x18: {  	[sflag:s10] =	ssyncadd.s32 $0xFFFFFE70  }
0x19: {  	[tilespmem:s13], [sflag:$0x1] =	stream.indirect.gather [hbm4b:s3+s12], $0x80, s22, s12, $0xb8;
	[tilespmem:$0x19400] =	vst v63  }
0x1a: {  	_ = 	snop  }
0x1b: {  	[tilespmem:s14], [sflag:$0x2] =	stream.indirect.gather [hbm4b:s4+s12], $0x80, s11, s12, $0xb8;
	[tilespmem:$0x19400] =	vst v63  }
0x1c: {  	_ =	swait.ge [sflag:s15], $0xC800  }
0x1d: {  	[sflag:s15] =	ssyncset.done $0x0  }
0x1e: {  	[sflag:s15] =	ssyncadd.s32 $0xFFFF3800  }
0x1f: {  	_ =	swait.ge [sflag:s16], $0xC800  }
0x20: {  	[sflag:s16] =	ssyncset.done $0x0  }
0x21: {  	s21 =	simm.s32 $0x200;
	s20 =	simm.s32 $0x0;
	[sflag:s16] =	ssyncadd.s32 $0xFFFF3800  }
.LBB2_3:
0x22: {  	p0 =	sne.s32 s21, $0x31E00;
	v0 =	vld [tilespmem:s20+$0xCC70]  }
0x23: {  	v1 =	vld [tilespmem:s20+$0xCC00]  }
0x24: {  	v2 =	vld [tilespmem:s20+$0xCC10]  }
0x25: {  	v3 =	vld [tilespmem:s20+$0xCC20]  }
0x26: {  	v4 =	vld [tilespmem:s20+$0xCC30]  }
0x27: {  	[tilespmem:s20+$0x470] =	vst.add.f32.msk $0xffff, v0  }
0x28: {  	v0 =	vld [tilespmem:s20+$0xCC40]  }
0x29: {  	v5 =	vld [tilespmem:s20+$0xCC50]  }
0x2a: {  	v6 =	vld [tilespmem:s20+$0xCC60]  }
0x2b: {  	[tilespmem:s20+$0x400] =	vst.add.f32.msk $0xffff, v1  }
0x2c: {  	[tilespmem:s20+$0x410] =	vst.add.f32.msk $0xffff, v2  }
.Ltmp0:
0x2d: {  	[tilespmem:s20+$0x420] =	vst.add.f32.msk $0xffff, v3;
	(pc) =	sbr.rel @p0 .LBB2_3-.Ltmp0, $4  }
0x2e: {  	[tilespmem:s20+$0x430] =	vst.add.f32.msk $0xffff, v4  }
0x2f: {  	[tilespmem:s20+$0x440] =	vst.add.f32.msk $0xffff, v0  }
0x30: {  	[tilespmem:s20+$0x450] =	vst.add.f32.msk $0xffff, v5  }
0x31: {  	[tilespmem:s20+$0x460] =	vst.add.f32.msk $0xffff, v6;
	s20 =	sshra.s32 s21, $0x2;
	s21 =	sadd.s32 $0x200, s21  }
0x32: {  	v0 =	vld [tilespmem:s20+$0xCC70]  }
0x33: {  	v1 =	vld [tilespmem:s20+$0xCC00]  }
0x34: {  	v2 =	vld [tilespmem:s20+$0xCC10]  }
0x35: {  	v3 =	vld [tilespmem:s20+$0xCC20]  }
0x36: {  	v4 =	vld [tilespmem:s20+$0xCC30]  }
0x37: {  	v63 =	vld [tilespmem:s20+$0xCC40]  }
0x38: {  	v5 =	vld [tilespmem:s20+$0xCC50]  }
0x39: {  	v6 =	vld [tilespmem:s20+$0xCC60]  }
0x3a: {  	[tilespmem:s20+$0x470] =	vst.add.f32.msk $0xffff, v0  }
0x3b: {  	[tilespmem:s20+$0x400] =	vst.add.f32.msk $0xffff, v1  }
0x3c: {  	[tilespmem:s20+$0x410] =	vst.add.f32.msk $0xffff, v2  }
0x3d: {  	[tilespmem:s20+$0x420] =	vst.add.f32.msk $0xffff, v3  }
0x3e: {  	[tilespmem:s20+$0x430] =	vst.add.f32.msk $0xffff, v4  }
0x3f: {  	s18 =	sadd.s32 $0x1, s18;
	[tilespmem:s20+$0x440] =	vst.add.f32.msk $0xffff, v63  }
0x40: {  	s19 =	sshll.u32 s19, $0x4;
	p0 =	sne.s32 s18, $0x19;
	[tilespmem:s20+$0x450] =	vst.add.f32.msk $0xffff, v5  }
.Ltmp1:
0x41: {  	s19 =	sadd.s32 s7, s19;
	[tilespmem:s20+$0x460] =	vst.add.f32.msk $0xffff, v6;
	(pc) =	sbr.rel @p0 .LBB2_2-.Ltmp1, $4  }
0x42: {  	[hbm4b:s19+s1] =	stream.linear.scatter [tilespmem:s13], [sflag:$0x3], $0xC800, $0x38;
	[tilespmem:$0x19400] =	vst v63  }
0x43: {  	_ =	swait.ge [sflag:s10], $0xC800  }
0x44: {  	[sflag:s10] =	ssyncset.done $0x0  }
0x45: {  	[sflag:s10] =	ssyncadd.s32 $0xFFFF3800  }
0x46: {  	s17 =	sadd.s32 $0x1, s17  }
0x47: {  	p0 =	sne.s32 s17, s9  }
.Ltmp2:
0x48: {  	_ = 	snop;
	(pc) =	sbr.rel @p0 .LBB2_1-.Ltmp2, $1  }
0x49: {  	_ =	sdelay $0x3  }
0x4a: {  	_ =	sfence.sel $0x180000  }
0x4b: {  	[bflag:$0x0] =	sbarrier.arrive $0xFFFF  }
0x4c: {  	p0 =	sne.s32 s2, $0x0;
	_ =	strace $0x90000047  }
0x4d: {  	s0 =	sadd.s32 @!p0 $0x100000, s0;
	[bflag:$0x2] =	sbarrier.arrive $0xFFFF  }
0x4e: {  	[sflag:s0] =	ssyncadd.tile.s32 @!p0 $0x1;
	_ =	shalt  }
.Lfunc_end2:
_tile_overlayer_lowered:
.L_overlay_start_2:
0x4f: {  	(tag) =	ssettag $0x2  }
0x50: {  	s0 =	rddreg [dreg:$0x0];
	s2 =	stileid.u32  }
0x51: {  	s1 =	rddreg [dreg:$0x1];
	p0 =	sne.s32 s2, $0x0  }
0x52: {  	s3 =	rddreg [dreg:$0x2];
	[bflag:$0x3] =	sbarrier.arrive $0xFFFF;
	s2 =	simm.s32 @!p0 $0x1C03  }
0x53: {  	[timem:s3], [sflag:s2] =	dma.local @!p0 [hbm:s0], s1  }
0x54: {  	s0 =	simm.s32 @!p0 $0x3  }
0x55: {  	_ =	swait.ge @!p0 [sflag:s0], s1  }
0x56: {  	s1 =	ssub.s32 @!p0 $0x0, s1;
	[sflag:s0] =	ssyncset.done @!p0 $0x0  }
0x57: {  	[sflag:s0] =	ssyncadd.s32 @!p0 s1  }
0x58: {  	[bflag:$0x3] =	sbarrier.arrive $0xFFFF  }
0x59: {  	_ =	shalt  }

</sc_bundles>
